<compile_context>
chip_gen: v7x
topology: tpu7x:2x2x1
jax: 0.10.2.dev20260603
libtpu: 0.0.44.dev20260713+nightly
codegen_flags: <defaults>
</compile_context>

<pallas_src>
import functools

import numpy as np
import jax
import jax.numpy as jnp
from jax import lax
from jax.experimental import pallas as pl
from jax.experimental.pallas import tpu as pltpu
from jax.experimental.pallas import tpu_sc as plsc

_N_ROWS = 16384
_N_COLS = 2048
_BLOCK_R = 1024
_N_WORKERS = 32
_COLS_PER_W = _N_COLS // _N_WORKERS
_LANES = 16


def _uniform_consts() -> np.ndarray:
    ks0, ks1 = np.uint32(0), np.uint32(42)
    ks2 = np.uint32(ks0 ^ ks1 ^ np.uint32(0x1BD11BDA))
    ks = [ks0, ks1, ks2]
    rot = [(13, 15, 26, 6), (17, 29, 16, 24)]

    def rotl(x, r):
        r = np.uint32(r)
        return ((x << r) | (x >> np.uint32(32 - r))).astype(np.uint32)

    x0 = np.full(_N_COLS, ks0, dtype=np.uint32)
    x1 = (np.arange(_N_COLS, dtype=np.uint32) + ks1).astype(np.uint32)
    for i in range(5):
        for r in rot[i % 2]:
            x0 = (x0 + x1).astype(np.uint32)
            x1 = rotl(x1, r)
            x1 = (x1 ^ x0).astype(np.uint32)
        x0 = (x0 + ks[(i + 1) % 3]).astype(np.uint32)
        x1 = (x1 + ks[(i + 2) % 3] + np.uint32(i + 1)).astype(np.uint32)
    bits = (x0 ^ x1).astype(np.uint32)
    fb = ((bits >> np.uint32(9)) | np.uint32(0x3F800000)).astype(np.uint32)
    u = fb.view(np.float32) - np.float32(1.0)
    return u


_U_ROW = _uniform_consts()


def _sc_flip_body(idx_hbm, prob_hbm, u_hbm, tensor_hbm, out_hbm,
                  idx_v, row_v, u_v, prob_v, res_v, sem):
    w = lax.axis_index("s") * 2 + lax.axis_index("c")
    base = w * _COLS_PER_W
    pltpu.sync_copy(idx_hbm, idx_v)
    pltpu.async_copy(tensor_hbm.at[idx_v], row_v, sem).wait()
    pltpu.sync_copy(u_hbm.at[pl.ds(base, _COLS_PER_W)], u_v)
    pltpu.sync_copy(prob_hbm, prob_v)
    pv = prob_v[...]
    one = jnp.full((_LANES,), 1.0, jnp.float32)
    zero = jnp.full((_LANES,), 0.0, jnp.float32)
    for j in range(_COLS_PER_W // _LANES):
        u16 = u_v[pl.ds(j * _LANES, _LANES)]
        r16 = row_v[0, pl.ds(base + j * _LANES, _LANES)]
        s16 = jnp.where(u16 < pv, one, zero)
        res_v[pl.ds(j * _LANES, _LANES)] = jnp.abs(r16 - s16)
    pltpu.sync_copy(res_v, out_hbm.at[pl.ds(base, _COLS_PER_W)])


def _sc_flip_row(idx, prob16, u, tensor):
    mesh = plsc.VectorSubcoreMesh(core_axis_name="c", subcore_axis_name="s")
    run = functools.partial(
        pl.kernel,
        out_type=jax.ShapeDtypeStruct((_N_COLS,), jnp.float32),
        mesh=mesh,
        scratch_types=[
            pltpu.VMEM((1,), jnp.int32),
            pltpu.VMEM((1, _N_COLS), jnp.float32),
            pltpu.VMEM((_COLS_PER_W,), jnp.float32),
            pltpu.VMEM((_LANES,), jnp.float32),
            pltpu.VMEM((_COLS_PER_W,), jnp.float32),
            pltpu.SemaphoreType.DMA,
        ],
    )(_sc_flip_body)
    return run(idx, prob16, u, tensor)


def _copy_body(in_ref, out_ref):
    out_ref[...] = in_ref[...]


def _splice_body(idx_ref, row_hbm, big_hbm, out_hbm, sem):
    cp = pltpu.make_async_copy(row_hbm, out_hbm.at[idx_ref[0]], sem)
    cp.start()
    cp.wait()


def kernel(tensor, tensor_slice_index, probability):
    idx = jnp.asarray(tensor_slice_index, jnp.int32).reshape((1,))
    prob16 = jnp.full((_LANES,), probability, jnp.float32)
    u = jnp.asarray(_U_ROW)
    row = _sc_flip_row(idx, prob16, u, tensor)
    grid = _N_ROWS // _BLOCK_R
    copied = pl.pallas_call(
        _copy_body,
        grid=(grid,),
        in_specs=[pl.BlockSpec((_BLOCK_R, _N_COLS), lambda i: (i, 0))],
        out_specs=pl.BlockSpec((_BLOCK_R, _N_COLS), lambda i: (i, 0)),
        out_shape=jax.ShapeDtypeStruct((_N_ROWS, _N_COLS), jnp.float32),
    )(tensor)
    out = pl.pallas_call(
        _splice_body,
        in_specs=[
            pl.BlockSpec(memory_space=pltpu.SMEM),
            pl.BlockSpec(memory_space=pltpu.MemorySpace.HBM),
            pl.BlockSpec(memory_space=pltpu.MemorySpace.HBM),
        ],
        out_specs=pl.BlockSpec(memory_space=pltpu.MemorySpace.HBM),
        out_shape=jax.ShapeDtypeStruct((_N_ROWS, _N_COLS), jnp.float32),
        scratch_shapes=[pltpu.SemaphoreType.DMA],
        input_output_aliases={2: 0},
    )(idx, row, copied)
    return (out, tensor_slice_index)

# --- scband reference (transcript-rebuilt; emitter-appended) ---
"""Pipeline reference for scband-bernoulli-flip-13039520711119 (READ-ONLY COPY).

The authoritative reference and input builder live on the scoring server;
editing this copy changes nothing except your own understanding.
"""

import jax, jax.numpy as jnp
import numpy as np

N_ROWS = 16384
N_COLS = 2048


def setup_inputs(seed: int = 0) -> dict:
    key = jax.random.key(seed)
    k1, k2 = jax.random.split(key)
    # binary-valued float tensor (population of bitstrings)
    tensor = jax.random.randint(k1, (N_ROWS, N_COLS), 0, 2).astype(jnp.float32)
    tensor_slice_index = 7
    probability = jnp.float32(0.5)
    return {"tensor": tensor, "tensor_slice_index": tensor_slice_index, "probability": probability}


def reference(tensor, tensor_slice_index, probability):
    # _get_slice: extract the target row
    target_tensor = tensor[tensor_slice_index]
    target_tensor = target_tensor.astype(jnp.int32)
    tensor_columns = tensor.shape[1]
    # tfp.distributions.Bernoulli(probs=probability).sample(tensor_columns)
    sample = jax.random.bernoulli(jax.random.key(42), probability, (tensor_columns,)).astype(jnp.int32)
    # bitwise XOR flip
    to_update = jnp.bitwise_xor(target_tensor, sample)
    to_update = to_update.astype(jnp.float32)
    # _update_tensor: scatter-overwrite the row back
    updated_tensor = tensor.at[tensor_slice_index].set(to_update)
    return (updated_tensor, tensor_slice_index)

if __name__ == "__main__":
    import jax
    _d = setup_inputs()
    print(jax.jit(kernel)(*tuple(_d.values())))

</pallas_src>

<mosaic_0001>
#map = affine_map<(d0, d1) -> (0)>
#map1 = affine_map<(d0, d1) -> (0, 0)>
module attributes {stable_mosaic.version = 14 : i64} {
  func.func @_sc_flip_body(%arg0: i32, %arg1: i32, %arg2: memref<1xi32, #tpu.memory_space<hbm>>, %arg3: memref<16xf32, #tpu.memory_space<hbm>>, %arg4: memref<2048xf32, #tpu.memory_space<hbm>>, %arg5: memref<16384x2048xf32, #tpu.memory_space<hbm>>, %arg6: memref<2048xf32, #tpu.memory_space<hbm>>, %arg7: memref<1xi32, #tpu.memory_space<vmem>>, %arg8: memref<1x2048xf32, #tpu.memory_space<vmem>>, %arg9: memref<64xf32, #tpu.memory_space<vmem>>, %arg10: memref<16xf32, #tpu.memory_space<vmem>>, %arg11: memref<64xf32, #tpu.memory_space<vmem>>, %arg12: memref<!tpu.dma_semaphore, #tpu.memory_space<semaphore_mem>>) attributes {dimension_semantics = [#tpu.dimension_semantics<core_parallel>, #tpu.dimension_semantics<subcore_parallel>], iteration_bounds = array<i64: 2, 16>, scalar_prefetch = 0 : i64, scratch_operands = 6 : i64, tpu.core_type = #tpu.core_type<sc_vector_subcore>, window_params = [{transform_indices = #map}, {transform_indices = #map}, {transform_indices = #map}, {transform_indices = #map1}, {transform_indices = #map}]} {
    %mul3A = arith.constant 2 : i32
    %mul3A_0 = arith.muli %arg1, %mul3A : i32
    %add3A = arith.addi %mul3A_0, %arg0 : i32
    %mul3A_1 = arith.constant 64 : i32
    %mul3A_2 = arith.muli %add3A, %mul3A_1 : i32
    "tpu.region"() ({
      %run_scoped3A = tpu.sem_alloc : memref<!tpu.dma_semaphore, #tpu.memory_space<semaphore_mem>>
      tpu.enqueue_dma source(%arg2 : memref<1xi32, #tpu.memory_space<hbm>>) target(%arg7 : memref<1xi32, #tpu.memory_space<vmem>>) target_semaphore(%run_scoped3A : memref<!tpu.dma_semaphore, #tpu.memory_space<semaphore_mem>>)
      tpu.wait_dma2 semaphore(%run_scoped3A : memref<!tpu.dma_semaphore, #tpu.memory_space<semaphore_mem>>) src(%arg2 : memref<1xi32, #tpu.memory_space<hbm>>) dst(%arg7 : memref<1xi32, #tpu.memory_space<vmem>>)
      tpu.yield
    }) : () -> ()
    %dma_start3A = arith.constant 0 : i32
    %dma_start3A_3 = arith.constant 0 : i32
    %dma_start3A_4 = tpu.memref_slice %arg5[%dma_start3A, %dma_start3A_3] : memref<16384x2048xf32, #tpu.memory_space<hbm>> -> memref<16384x2048xf32, #tpu.memory_space<hbm>>
    tpu.enqueue_indirect_dma source(%dma_start3A_4 : memref<16384x2048xf32, #tpu.memory_space<hbm>>) target(%arg8 : memref<1x2048xf32, #tpu.memory_space<vmem>>) offsets(%arg7 : memref<1xi32, #tpu.memory_space<vmem>>) semaphore(%arg12 : memref<!tpu.dma_semaphore, #tpu.memory_space<semaphore_mem>>)
    %dma_wait3A = arith.constant 0 : i32
    %dma_wait3A_5 = arith.constant 0 : i32
    %dma_wait3A_6 = tpu.memref_slice %arg5[%dma_wait3A, %dma_wait3A_5] : memref<16384x2048xf32, #tpu.memory_space<hbm>> -> memref<16384x2048xf32, #tpu.memory_space<hbm>>
    tpu.wait_indirect_dma semaphore(%arg12 : memref<!tpu.dma_semaphore, #tpu.memory_space<semaphore_mem>>) src(%dma_wait3A_6 : memref<16384x2048xf32, #tpu.memory_space<hbm>>) dst(%arg8 : memref<1x2048xf32, #tpu.memory_space<vmem>>)
    "tpu.region"() ({
      %run_scoped3A = tpu.sem_alloc : memref<!tpu.dma_semaphore, #tpu.memory_space<semaphore_mem>>
      %dma_start3A_79 = tpu.memref_slice %arg4[%mul3A_2] : memref<2048xf32, #tpu.memory_space<hbm>> -> memref<64xf32, #tpu.memory_space<hbm>>
      %dma_start3A_80 = tpu.memref_slice %arg4[%mul3A_2] : memref<2048xf32, #tpu.memory_space<hbm>> -> memref<64xf32, #tpu.memory_space<hbm>>
      tpu.enqueue_dma source(%dma_start3A_80 : memref<64xf32, #tpu.memory_space<hbm>>) target(%arg9 : memref<64xf32, #tpu.memory_space<vmem>>) target_semaphore(%run_scoped3A : memref<!tpu.dma_semaphore, #tpu.memory_space<semaphore_mem>>)
      %dma_wait3A_81 = tpu.memref_slice %arg4[%mul3A_2] : memref<2048xf32, #tpu.memory_space<hbm>> -> memref<64xf32, #tpu.memory_space<hbm>>
      %dma_wait3A_82 = tpu.memref_slice %arg4[%mul3A_2] : memref<2048xf32, #tpu.memory_space<hbm>> -> memref<64xf32, #tpu.memory_space<hbm>>
      tpu.wait_dma2 semaphore(%run_scoped3A : memref<!tpu.dma_semaphore, #tpu.memory_space<semaphore_mem>>) src(%dma_wait3A_82 : memref<64xf32, #tpu.memory_space<hbm>>) dst(%arg9 : memref<64xf32, #tpu.memory_space<vmem>>)
      tpu.yield
    }) : () -> ()
    "tpu.region"() ({
      %run_scoped3A = tpu.sem_alloc : memref<!tpu.dma_semaphore, #tpu.memory_space<semaphore_mem>>
      tpu.enqueue_dma source(%arg3 : memref<16xf32, #tpu.memory_space<hbm>>) target(%arg10 : memref<16xf32, #tpu.memory_space<vmem>>) target_semaphore(%run_scoped3A : memref<!tpu.dma_semaphore, #tpu.memory_space<semaphore_mem>>)
      tpu.wait_dma2 semaphore(%run_scoped3A : memref<!tpu.dma_semaphore, #tpu.memory_space<semaphore_mem>>) src(%arg3 : memref<16xf32, #tpu.memory_space<hbm>>) dst(%arg10 : memref<16xf32, #tpu.memory_space<vmem>>)
      tpu.yield
    }) : () -> ()
    %get3A = arith.constant 0 : index
    %get3A_7 = tpu.vector_load %arg10[%get3A] {strides = array<i32>} : memref<16xf32, #tpu.memory_space<vmem>>, vector<16xf32>,
    %get3A_8 = vector.shape_cast %get3A_7 : vector<16xf32> to vector<16xf32>
    %broadcast_in_dim3A = arith.constant 1.000000e+00 : f32
    %broadcast_in_dim3A_9 = vector.broadcast %broadcast_in_dim3A : f32 to vector<16xf32>
    %broadcast_in_dim3A_10 = arith.constant 0.000000e+00 : f32
    %broadcast_in_dim3A_11 = vector.broadcast %broadcast_in_dim3A_10 : f32 to vector<16xf32>
    %get3A_12 = arith.constant 0 : index
    %get3A_13 = tpu.vector_load %arg9[%get3A_12] {strides = array<i32>} : memref<64xf32, #tpu.memory_space<vmem>>, vector<16xf32>,
    %get3A_14 = vector.shape_cast %get3A_13 : vector<16xf32> to vector<16xf32>
    %add3A_15 = arith.constant 0 : i32
    %add3A_16 = arith.addi %mul3A_2, %add3A_15 : i32
    %get3A_17 = arith.constant 0 : i32
    %get3A_18 = arith.index_cast %get3A_17 : i32 to index
    %get3A_19 = arith.index_cast %add3A_16 : i32 to index
    %get3A_20 = tpu.vector_load %arg8[%get3A_18, %get3A_19] {strides = array<i32>} : memref<1x2048xf32, #tpu.memory_space<vmem>>, vector<1x16xf32>,
    %get3A_21 = vector.shape_cast %get3A_20 : vector<1x16xf32> to vector<16xf32>
    %lt3A = arith.cmpf olt, %get3A_14, %get3A_8 : vector<16xf32>
    %select_n3A = arith.select %lt3A, %broadcast_in_dim3A_9, %broadcast_in_dim3A_11 : vector<16xi1>, vector<16xf32>
    %sub3A = arith.subf %get3A_21, %select_n3A : vector<16xf32>
    %abs3A = math.absf %sub3A : vector<16xf32>
    %swap3A = arith.constant 0 : index
    %swap3A_22 = tpu.vector_load %arg11[%swap3A] {strides = array<i32>} : memref<64xf32, #tpu.memory_space<vmem>>, vector<16xf32>,
    %swap3A_23 = vector.shape_cast %swap3A_22 : vector<16xf32> to vector<16xf32>
    %swap3A_24 = vector.shape_cast %abs3A : vector<16xf32> to vector<16xf32>
    tpu.vector_store %arg11[%swap3A], %swap3A_24 {strides = array<i32>} : memref<64xf32, #tpu.memory_space<vmem>>, vector<16xf32>,
    %get3A_25 = arith.constant 16 : index
    %get3A_26 = tpu.vector_load %arg9[%get3A_25] {strides = array<i32>} : memref<64xf32, #tpu.memory_space<vmem>>, vector<16xf32>,
    %get3A_27 = vector.shape_cast %get3A_26 : vector<16xf32> to vector<16xf32>
    %add3A_28 = arith.constant 16 : i32
    %add3A_29 = arith.addi %mul3A_2, %add3A_28 : i32
    %get3A_30 = arith.constant 0 : i32
    %get3A_31 = arith.index_cast %get3A_30 : i32 to index
    %get3A_32 = arith.index_cast %add3A_29 : i32 to index
    %get3A_33 = tpu.vector_load %arg8[%get3A_31, %get3A_32] {strides = array<i32>} : memref<1x2048xf32, #tpu.memory_space<vmem>>, vector<1x16xf32>,
    %get3A_34 = vector.shape_cast %get3A_33 : vector<1x16xf32> to vector<16xf32>
    %lt3A_35 = arith.cmpf olt, %get3A_27, %get3A_8 : vector<16xf32>
    %select_n3A_36 = arith.select %lt3A_35, %broadcast_in_dim3A_9, %broadcast_in_dim3A_11 : vector<16xi1>, vector<16xf32>
    %sub3A_37 = arith.subf %get3A_34, %select_n3A_36 : vector<16xf32>
    %abs3A_38 = math.absf %sub3A_37 : vector<16xf32>
    %swap3A_39 = arith.constant 16 : index
    %swap3A_40 = tpu.vector_load %arg11[%swap3A_39] {strides = array<i32>} : memref<64xf32, #tpu.memory_space<vmem>>, vector<16xf32>,
    %swap3A_41 = vector.shape_cast %swap3A_40 : vector<16xf32> to vector<16xf32>
    %swap3A_42 = vector.shape_cast %abs3A_38 : vector<16xf32> to vector<16xf32>
    tpu.vector_store %arg11[%swap3A_39], %swap3A_42 {strides = array<i32>} : memref<64xf32, #tpu.memory_space<vmem>>, vector<16xf32>,
    %get3A_43 = arith.constant 32 : index
    %get3A_44 = tpu.vector_load %arg9[%get3A_43] {strides = array<i32>} : memref<64xf32, #tpu.memory_space<vmem>>, vector<16xf32>,
    %get3A_45 = vector.shape_cast %get3A_44 : vector<16xf32> to vector<16xf32>
    %add3A_46 = arith.constant 32 : i32
    %add3A_47 = arith.addi %mul3A_2, %add3A_46 : i32
    %get3A_48 = arith.constant 0 : i32
    %get3A_49 = arith.index_cast %get3A_48 : i32 to index
    %get3A_50 = arith.index_cast %add3A_47 : i32 to index
    %get3A_51 = tpu.vector_load %arg8[%get3A_49, %get3A_50] {strides = array<i32>} : memref<1x2048xf32, #tpu.memory_space<vmem>>, vector<1x16xf32>,
    %get3A_52 = vector.shape_cast %get3A_51 : vector<1x16xf32> to vector<16xf32>
    %lt3A_53 = arith.cmpf olt, %get3A_45, %get3A_8 : vector<16xf32>
    %select_n3A_54 = arith.select %lt3A_53, %broadcast_in_dim3A_9, %broadcast_in_dim3A_11 : vector<16xi1>, vector<16xf32>
    %sub3A_55 = arith.subf %get3A_52, %select_n3A_54 : vector<16xf32>
    %abs3A_56 = math.absf %sub3A_55 : vector<16xf32>
    %swap3A_57 = arith.constant 32 : index
    %swap3A_58 = tpu.vector_load %arg11[%swap3A_57] {strides = array<i32>} : memref<64xf32, #tpu.memory_space<vmem>>, vector<16xf32>,
    %swap3A_59 = vector.shape_cast %swap3A_58 : vector<16xf32> to vector<16xf32>
    %swap3A_60 = vector.shape_cast %abs3A_56 : vector<16xf32> to vector<16xf32>
    tpu.vector_store %arg11[%swap3A_57], %swap3A_60 {strides = array<i32>} : memref<64xf32, #tpu.memory_space<vmem>>, vector<16xf32>,
    %get3A_61 = arith.constant 48 : index
    %get3A_62 = tpu.vector_load %arg9[%get3A_61] {strides = array<i32>} : memref<64xf32, #tpu.memory_space<vmem>>, vector<16xf32>,
    %get3A_63 = vector.shape_cast %get3A_62 : vector<16xf32> to vector<16xf32>
    %add3A_64 = arith.constant 48 : i32
    %add3A_65 = arith.addi %mul3A_2, %add3A_64 : i32
    %get3A_66 = arith.constant 0 : i32
    %get3A_67 = arith.index_cast %get3A_66 : i32 to index
    %get3A_68 = arith.index_cast %add3A_65 : i32 to index
    %get3A_69 = tpu.vector_load %arg8[%get3A_67, %get3A_68] {strides = array<i32>} : memref<1x2048xf32, #tpu.memory_space<vmem>>, vector<1x16xf32>,
    %get3A_70 = vector.shape_cast %get3A_69 : vector<1x16xf32> to vector<16xf32>
    %lt3A_71 = arith.cmpf olt, %get3A_63, %get3A_8 : vector<16xf32>
    %select_n3A_72 = arith.select %lt3A_71, %broadcast_in_dim3A_9, %broadcast_in_dim3A_11 : vector<16xi1>, vector<16xf32>
    %sub3A_73 = arith.subf %get3A_70, %select_n3A_72 : vector<16xf32>
    %abs3A_74 = math.absf %sub3A_73 : vector<16xf32>
    %swap3A_75 = arith.constant 48 : index
    %swap3A_76 = tpu.vector_load %arg11[%swap3A_75] {strides = array<i32>} : memref<64xf32, #tpu.memory_space<vmem>>, vector<16xf32>,
    %swap3A_77 = vector.shape_cast %swap3A_76 : vector<16xf32> to vector<16xf32>
    %swap3A_78 = vector.shape_cast %abs3A_74 : vector<16xf32> to vector<16xf32>
    tpu.vector_store %arg11[%swap3A_75], %swap3A_78 {strides = array<i32>} : memref<64xf32, #tpu.memory_space<vmem>>, vector<16xf32>,
    "tpu.region"() ({
      %run_scoped3A = tpu.sem_alloc : memref<!tpu.dma_semaphore, #tpu.memory_space<semaphore_mem>>
      %dma_start3A_79 = tpu.memref_slice %arg6[%mul3A_2] : memref<2048xf32, #tpu.memory_space<hbm>> -> memref<64xf32, #tpu.memory_space<hbm>>
      %dma_start3A_80 = tpu.memref_slice %arg6[%mul3A_2] : memref<2048xf32, #tpu.memory_space<hbm>> -> memref<64xf32, #tpu.memory_space<hbm>>
      tpu.enqueue_dma source(%arg11 : memref<64xf32, #tpu.memory_space<vmem>>) target(%dma_start3A_80 : memref<64xf32, #tpu.memory_space<hbm>>) target_semaphore(%run_scoped3A : memref<!tpu.dma_semaphore, #tpu.memory_space<semaphore_mem>>)
      %dma_wait3A_81 = tpu.memref_slice %arg6[%mul3A_2] : memref<2048xf32, #tpu.memory_space<hbm>> -> memref<64xf32, #tpu.memory_space<hbm>>
      %dma_wait3A_82 = tpu.memref_slice %arg6[%mul3A_2] : memref<2048xf32, #tpu.memory_space<hbm>> -> memref<64xf32, #tpu.memory_space<hbm>>
      tpu.wait_dma2 semaphore(%run_scoped3A : memref<!tpu.dma_semaphore, #tpu.memory_space<semaphore_mem>>) src(%arg11 : memref<64xf32, #tpu.memory_space<vmem>>) dst(%dma_wait3A_82 : memref<64xf32, #tpu.memory_space<hbm>>)
      tpu.yield
    }) : () -> ()
    return
  }
}

module attributes {stable_mosaic.version = 14 : i64} {
  func.func @_splice_body(%arg0: memref<1xi32, #tpu.memory_space<smem>>, %arg1: memref<2048xf32, #tpu.memory_space<hbm>>, %arg2: memref<16384x2048xf32, #tpu.memory_space<hbm>>, %arg3: memref<16384x2048xf32, #tpu.memory_space<hbm>>, %arg4: memref<!tpu.dma_semaphore, #tpu.memory_space<semaphore_mem>>) attributes {dimension_semantics = [], scalar_prefetch = 0 : i64, scratch_operands = 1 : i64, tpu.core_type = #tpu.core_type<tc>} {
    %get3A = arith.constant 0 : index
    %get3A_0 = memref.load %arg0[%get3A] : memref<1xi32, #tpu.memory_space<smem>>
    %dma_start3A = arith.constant 0 : i32
    %dma_start3A_1 = tpu.memref_slice %arg3[%get3A_0, %dma_start3A] : memref<16384x2048xf32, #tpu.memory_space<hbm>> -> memref<1x2048xf32, #tpu.memory_space<hbm>>
    %dma_start3A_2 = tpu.memref_squeeze %dma_start3A_1 : memref<1x2048xf32, #tpu.memory_space<hbm>> -> memref<2048xf32, #tpu.memory_space<hbm>>
    tpu.enqueue_dma source(%arg1 : memref<2048xf32, #tpu.memory_space<hbm>>) target(%dma_start3A_2 : memref<2048xf32, #tpu.memory_space<hbm>>) target_semaphore(%arg4 : memref<!tpu.dma_semaphore, #tpu.memory_space<semaphore_mem>>)
    %dma_wait3A = arith.constant 0 : i32
    %dma_wait3A_3 = tpu.memref_slice %arg3[%get3A_0, %dma_wait3A] : memref<16384x2048xf32, #tpu.memory_space<hbm>> -> memref<1x2048xf32, #tpu.memory_space<hbm>>
    %dma_wait3A_4 = tpu.memref_squeeze %dma_wait3A_3 : memref<1x2048xf32, #tpu.memory_space<hbm>> -> memref<2048xf32, #tpu.memory_space<hbm>>
    tpu.wait_dma2 semaphore(%arg4 : memref<!tpu.dma_semaphore, #tpu.memory_space<semaphore_mem>>) src(%arg1 : memref<2048xf32, #tpu.memory_space<hbm>>) dst(%dma_wait3A_4 : memref<2048xf32, #tpu.memory_space<hbm>>)
    return
  }
}

module attributes {stable_mosaic.version = 14 : i64} {
  func.func @_copy_body(%arg0: i32, %arg1: memref<1024x2048xf32, #tpu.memory_space<vmem>>, %arg2: memref<1024x2048xf32, #tpu.memory_space<vmem>>) attributes {dimension_semantics = [#tpu.dimension_semantics<arbitrary>], iteration_bounds = array<i64: 16>, scalar_prefetch = 0 : i64, scratch_operands = 0 : i64, tpu.core_type = #tpu.core_type<tc>, window_params = [{transform_indices = @transform_0, window_bounds = array<i64: 1024, 2048>}, {transform_indices = @transform_1, window_bounds = array<i64: 1024, 2048>}]} {
    %get3A = arith.constant 0 : index
    %get3A_0 = arith.constant 0 : index
    %get3A_1 = vector.load %arg1[%get3A, %get3A_0] : memref<1024x2048xf32, #tpu.memory_space<vmem>>, vector<1024x2048xf32>
    %swap3A = arith.constant 0 : index
    %swap3A_2 = arith.constant 0 : index
    %swap3A_3 = vector.load %arg2[%swap3A, %swap3A_2] : memref<1024x2048xf32, #tpu.memory_space<vmem>>, vector<1024x2048xf32>
    tpu.vector_store %arg2[%swap3A, %swap3A_2], %get3A_1 {strides = array<i32>} : memref<1024x2048xf32, #tpu.memory_space<vmem>>, vector<1024x2048xf32>,
    return
  }
  func.func @transform_0(%arg0: i32) -> (i32, i32) {
    %c0_i32 = arith.constant 0 : i32
    %c0_i32_0 = arith.constant 0 : i32
    return %arg0, %c0_i32 : i32, i32
  }
  func.func @transform_1(%arg0: i32) -> (i32, i32) {
    %c0_i32 = arith.constant 0 : i32
    %c0_i32_0 = arith.constant 0 : i32
    return %arg0, %c0_i32 : i32, i32
  }
}

</mosaic_0001>

<sc_bundles>
// kernel: kernel.5.cloned.1.call-start
scs
__scs_entry_jumppad:
0x0: {  	(pc) =	sbr.rel $0x88, $3  }
0x1: {  	(tag) =	ssettag $0x0;
	lr =	simm.s32 $0x1  }
0x2: {  	[smem:$0x3F9E] =	sst lr;
	_ =	strace $0xD0000000  }
0x3: {  	_ = 	snop  }
0x4: {  	_ = 	snop  }
0x5: {  	_ = 	snop  }
0x6: {  	_ = 	snop  }
0x7: {  	_ = 	snop  }
__scs_overlays_trampoline_lowered:
0x8: {  	[smem:$0x3FAD] =	sst s0  }
0x9: {  	[smem:$0x3FAE] =	sst s1  }
0xa: {  	[smem:$0x3FAF] =	sst s2  }
0xb: {  	[smem:$0x3FB0] =	sst s3  }
0xc: {  	[smem:$0x3FB1] =	sst s4  }
0xd: {  	[smem:$0x3FB2] =	sst s5  }
0xe: {  	[smem:$0x3FB3] =	sst s6  }
0xf: {  	[smem:$0x3FB4] =	sst s7  }
0x10: {  	[smem:$0x3FB5] =	sst s8  }
0x11: {  	[smem:$0x3FB6] =	sst s9;
	s0 =	simm.s32 @!p0 $0x0  }
0x12: {  	s1 =	sld [smem:$0x3F9C];
	s0 =	simm.s32 @p0 $0x1  }
0x13: {  	[smem:$0x3FB7] =	sst s0;
	s0 =	simm.s32 @!p1 $0x0  }
0x14: {  	s2 =	sld [smem:$0x3F9B];
	s0 =	simm.s32 @p1 $0x1  }
0x15: {  	[smem:$0x3FB8] =	sst s0;
	s0 =	simm.s32 @!p2 $0x0  }
0x16: {  	s3 =	sld [smem:$0x3FDB];
	s0 =	simm.s32 @p2 $0x1  }
0x17: {  	s4 =	simm.s32 $0x1BF5;
	[smem:$0x3FBA] =	sst s0  }
0x18: {  	s0 =	sld [smem:$0x3F9D];
	_ =	swait.ge [sflag:s4], $0x0  }
0x19: {  	s7 =	sld [smem:$0x3F9E]  }
0x1a: {  	s8 =	sadd.s32 $0xFFFFE003, lr  }
0x1b: {  	s9 =	sadd.s32 $0xFFFFFEF7, lr;
	s5 =	simm.s32 $0xFFFFFFFF;
	p2 =	slt.u32 s8, $0xFFFFF086  }
0x1c: {  	p1 =	slt.u32 s9, $0xF7A;
	s5 =	simm.s32 @!p2 $0x0  }
0x1d: {  	s5 =	simm.s32 @p1 $0x1;
	p0 =	seq.s32 s7, s2  }
0x1e: {  	s7 =	smul.u32 @!p0 $0xF7A, s2;
	p2 =	seq.s32 @!p0 s5, $0x0  }
0x1f: {  	s9 =	smul.u32 $0xF7A, s1;
	s8 =	simm.s32 @!p0 $0x1BF5;
	p2 =	por !p2, p0  }
0x20: {  	[sflag:s8] =	ssyncset.s32 @!p0 $0xFFFFF086;
	s6 =	sadd.s32 @!p0 s3, s7;
	s7 =	simm.s32 @!p0 $0x108  }
0x21: {  	s3 =	sadd.s32 s3, s9;
	s6 =	sadd.s32 @!p0 $0x88, s6;
	s7 =	simm.s32 @p2 $0x1082  }
0x22: {  	[simem:s7], [sflag:s8] =	dma.local @!p0 [hbm:s6], $0xF7A  }
0x23: {  	s9 =	sor.u32 $0xD0000000, s2;
	s6 =	simm.s32 $0x108;
	_ =	swait.ge @!p0 [sflag:s8], $0x0  }
0x24: {  	s3 =	sadd.s32 $0x88, s3;
	s6 =	simm.s32 @!p1 $0x1082;
	[sflag:s4] =	ssyncset.s32 $0xFFFFF086  }
0x25: {  	[simem:s6], [sflag:s4] =	dma.local [hbm:s3], $0xF7A  }
0x26: {  	[smem:$0x3F9E] =	sst s1;
	(tag) =	ssettag s2;
	_ =	strace s9  }
0x27: {  	s1 =	sld [smem:$0x3FAE]  }
0x28: {  	s2 =	sld [smem:$0x3FAF]  }
0x29: {  	s4 =	sld [smem:$0x3FB1]  }
0x2a: {  	p0 =	seq.s32 s5, $0x0;
	s5 =	sld [smem:$0x3FB2]  }
0x2b: {  	s6 =	sld [smem:$0x3FB3]  }
0x2c: {  	s7 =	sld [smem:$0x3FB4]  }
0x2d: {  	s3 =	simm.s32 $0x108;
	s8 =	sld [smem:$0x3FB5]  }
0x2e: {  	s3 =	simm.s32 @!p0 $0x1082;
	s9 =	sld [smem:$0x3FB6]  }
0x2f: {  	lr =	sadd.s32 s0, s3;
	s0 =	sld [smem:$0x3FAD]  }
0x30: {  	s3 =	sld [smem:$0x3FB0]  }
0x31: {  	[smem:$0x3FB9] =	sst s10  }
0x32: {  	s10 =	sld [smem:$0x3FB7];
	_ =	sdelay $0x3  }
0x33: {  	p0 =	seq.s32 s10, $0x1;
	s10 =	sld [smem:$0x3FB9];
	_ =	sdelay $0x3  }
0x34: {  	[smem:$0x3FB9] =	sst s10  }
0x35: {  	s10 =	sld [smem:$0x3FB8];
	_ =	sdelay $0x3  }
0x36: {  	p1 =	seq.s32 s10, $0x1;
	s10 =	sld [smem:$0x3FB9];
	_ =	sdelay $0x3  }
0x37: {  	[smem:$0x3FB9] =	sst s10  }
0x38: {  	s10 =	sld [smem:$0x3FBA]  }
0x39: {  	_ = 	snop;
	(pc) =	sbr.ind lr, $3  }
0x3a: {  	_ = 	snop  }
0x3b: {  	_ = 	snop  }
0x3c: {  	p2 =	seq.s32 s10, $0x1;
	s10 =	sld [smem:$0x3FB9]  }
0x3d: {  	_ =	shalt  }
0x3e: {  	_ =	shalt  }
0x3f: {  	_ =	shalt  }
0x40: {  	_ =	shalt  }
0x41: {  	_ =	shalt  }
0x42: {  	_ =	shalt  }
0x43: {  	_ =	shalt  }
0x44: {  	_ =	shalt  }
0x45: {  	_ =	shalt  }
0x46: {  	_ =	shalt  }
0x47: {  	_ =	shalt  }
0x48: {  	_ =	shalt  }
0x49: {  	_ =	shalt  }
0x4a: {  	_ =	shalt  }
0x4b: {  	_ =	shalt  }
0x4c: {  	_ =	shalt  }
0x4d: {  	_ =	shalt  }
0x4e: {  	_ =	shalt  }
0x4f: {  	_ =	shalt  }
0x50: {  	_ =	shalt  }
0x51: {  	_ =	shalt  }
0x52: {  	_ =	shalt  }
0x53: {  	_ =	shalt  }
0x54: {  	_ =	shalt  }
0x55: {  	_ =	shalt  }
0x56: {  	_ =	shalt  }
0x57: {  	_ =	shalt  }
0x58: {  	_ =	shalt  }
0x59: {  	_ =	shalt  }
0x5a: {  	_ =	shalt  }
0x5b: {  	_ =	shalt  }
0x5c: {  	_ =	shalt  }
0x5d: {  	_ =	shalt  }
0x5e: {  	_ =	shalt  }
0x5f: {  	_ =	shalt  }
0x60: {  	_ =	shalt  }
0x61: {  	_ =	shalt  }
0x62: {  	_ =	shalt  }
0x63: {  	_ =	shalt  }
0x64: {  	_ =	shalt  }
0x65: {  	_ =	shalt  }
0x66: {  	_ =	shalt  }
0x67: {  	_ =	shalt  }
0x68: {  	_ =	shalt  }
0x69: {  	_ =	shalt  }
0x6a: {  	_ =	shalt  }
0x6b: {  	_ =	shalt  }
0x6c: {  	_ =	shalt  }
0x6d: {  	_ =	shalt  }
0x6e: {  	_ =	shalt  }
0x6f: {  	_ =	shalt  }
0x70: {  	_ =	shalt  }
0x71: {  	_ =	shalt  }
0x72: {  	_ =	shalt  }
0x73: {  	_ =	shalt  }
0x74: {  	_ =	shalt  }
0x75: {  	_ =	shalt  }
0x76: {  	_ =	shalt  }
0x77: {  	_ =	shalt  }
0x78: {  	_ =	shalt  }
0x79: {  	_ =	shalt  }
0x7a: {  	_ =	shalt  }
0x7b: {  	_ =	shalt  }
0x7c: {  	_ =	shalt  }
0x7d: {  	_ =	shalt  }
0x7e: {  	_ =	shalt  }
0x7f: {  	_ =	shalt  }
0x80: {  	_ =	shalt  }
0x81: {  	_ =	shalt  }
0x82: {  	_ =	shalt  }
0x83: {  	_ =	shalt  }
0x84: {  	_ =	shalt  }
0x85: {  	_ =	shalt  }
0x86: {  	_ =	shalt  }
0x87: {  	_ =	shalt  }
.Lfunc_end0:
.L_simem_size_0:
called_computation_lowered:
.L_overlay_start_0:
0x88: {  	s2 =	sld [smem:$0x3FD9]  }
0x89: {  	s3 =	sld [smem:$0x3FFE];
	_ =	sdelay $0x1  }
0x8a: {  	s1 =	srdreg.scid  }
0x8b: {  	s0 =	sand.u32 $0x1, s1  }
0x8c: {  	s17 =	sshll.u32 s0, $0xA;
	s2 =	sadd.s32 s3, s2  }
0x8d: {  	s2 =	sadd.s32 s2, s17  }
0x8e: {  	[smem:$0x3FC5] =	sst s2  }
0x8f: {  	_ = 	snop  }
0x90: {  	s2 =	sld [smem:$0x3FC9]  }
0x91: {  	s18 =	sld [smem:$0x3FC8];
	(tm) =	ssettm $0x1  }
0x92: {  	s4 =	sld [smem:$0x3FFB];
	_ =	sdelay $0x3  }
0x93: {  	_ =	strace s4  }
0x94: {  	s4 =	sld [smem:$0x3FFC];
	_ =	sdelay $0x3  }
0x95: {  	_ =	strace s4  }
0x96: {  	s4 =	sld [smem:$0x3FFD];
	_ =	sdelay $0x3  }
0x97: {  	_ =	strace s4  }
0x98: {  	_ =	strace $0x8FFFFFFF  }
0x99: {  	s19 =	sld [smem:$0x3FDB];
	_ =	sdelay $0x1  }
0x9a: {  	s5 =	simm.s32 $_scs_section_size  }
0x9b: {  	s6 =	simm.s32 $_size__tile_overlayer_lowered;
	s7 =	simm.s32 $_tile_overlayer_lowered  }
0x9c: {  	s22 =	simm.s32 $0x1BFF;
	s21 =	sshll.u32 s7, $0x1;
	s4 =	sadd.s32 s5, s19  }
0x9d: {  	s8 =	simm.s32 $0x0;
	s20 =	sshll.u32 s6, $0x1;
	s6 =	sadd.s32 s21, s4  }
0x9e: {  	[timem:s8], [sflag:s22] =	dma.local [hbm:s6], s20  }
0x9f: {  	_ =	swait.ge [sflag:s22], s20  }
0xa0: {  	s5 =	ssub.s32 $0x0, s20;
	[sflag:s22] =	ssyncset.done $0x0  }
0xa1: {  	[sflag:s22] =	ssyncadd.s32 s5;
	_ =	sdelay $0x1  }
0xa2: {  	s23 =	simm.s32 $0x1B8B  }
0xa3: {  	_ =	swait.ge [sflag:s23], $0x1  }
0xa4: {  	[sflag:s23] =	ssyncset.done $0x0  }
0xa5: {  	s25 =	simm.s32 $0x1B8E;
	s24 =	sld [smem:$0x3FFE];
	[sflag:s23] =	ssyncadd.s32 $0xFFFFFFFF  }
0xa6: {  	s26 =	simm.s32 $execute0_lowered;
	[smem:$0x3FD2] =	sst s25  }
0xa7: {  	s6 =	sshll.u32 s26, $0x1;
	_ =	strace $0x80000046;
	[dreg:$0x1] =	wrdreg $0xFFFFFFFF  }
0xa8: {  	s28 =	simm.s32 $_size_execute0_lowered;
	s4 =	sadd.s32 s4, s6;
	[dreg:$0x0] =	wrdreg $0x0  }
0xa9: {  	s6 =	sshll.u32 s28, $0x1;
	[dreg:$0x2] =	wrdreg s4  }
0xaa: {  	[dreg:$0x3] =	wrdreg s6  }
0xab: {  	[dreg:$0x4] =	wrdreg $0xC0  }
0xac: {  	_ =	task [dreg:s8], $0x5FFFF  }
0xad: {  	[dreg:$0x1] =	wrdreg $0xFFFFFFFF  }
0xae: {  	[dreg:$0x0] =	wrdreg $0x60  }
0xaf: {  	[dreg:$0x2] =	wrdreg s18  }
0xb0: {  	[dreg:$0x3] =	wrdreg s24  }
0xb1: {  	[dreg:$0x4] =	wrdreg s2  }
0xb2: {  	[dreg:$0x5] =	wrdreg $0x9  }
0xb3: {  	_ =	task.clear_ibuf [dreg:s8], $0x6FFFF;
	_ =	strace $0x90000046  }
0xb4: {  	s29 =	simm.s32 $0x9;
	_ =	strace $0x80000048  }
0xb5: {  	_ =	swait.ge [sflag:s29], $0x1  }
0xb6: {  	[sflag:s29] =	ssyncadd.s32 $0xFFFFFFFF  }
0xb7: {  	_ =	strace $0x90000048  }
0xb8: {  	_ =	sfence  }
0xb9: {  	s30 =	sld [smem:$0x0];
	_ =	sdelay $0x2  }
0xba: {  	s31 =	sshll.u32 s1, $0xD;
	s1 =	sshrl.u32 s1, $0x2  }
0xbb: {  	s3 =	sand.u32 $0x4000, s31;
	s1 =	sadd.s32 s1, s30  }
0xbc: {  	s0 =	sor.u32 s3, s0;
	s1 =	sshll.u32 s1, $0x11  }
0xbd: {  	s0 =	sor.u32 s1, s0  }
0xbe: {  	s0 =	sadd.s32 $0x8F2B, s0  }
0xbf: {  	[sflag:s0] =	ssyncadd.remote.s32 $0x1  }
0xc0: {  	_ =	sfence.sel $0xFFFF  }
0xc1: {  	[dreg:$0x0] =	wrdreg $0xFFFFFFFF;
	(pc) =	sbr.abs _section_cstart, $3  }
0xc2: {  	[dreg:$0x1] =	wrdreg $0xFFFFFFFF  }
0xc3: {  	_ =	task.clear_ibuf [dreg:s8], $0x2FFFF;
	_ =	strace $0x9FFFFFFF  }
0xc4: {  	(tm) =	ssettm $0x7FFFFFFF  }
0xc5: {  	_ =	shalt  }
tec
execute0_lowered:
.L_overlay_start_1:
0x0: {  	(tag) =	ssettag $0x1  }
0x1: {  	s1 =	rddreg [dreg:$0x0]  }
0x2: {  	s11 =	rddreg [dreg:$0x1]  }
0x3: {  	s2 =	rddreg [dreg:$0x2];
	s3 =	simm.s32 $0x0  }
0x4: {  	[smem:$0x7FF] =	sst s3  }
0x5: {  	s0 =	rddreg [dreg:$0x3];
	s4 =	simm.s32 $0x2;
	_ =	strace $0x80000047  }
0x6: {  	[tilespmem:s3], [sflag:$0x2] =	stream.linear.gather [hbm4b:s1+s3], $0x80, $0x38;
	[tilespmem:$0xA00] =	vst v63  }
0x7: {  	_ =	swait.ge [sflag:s4], $0x80  }
0x8: {  	[sflag:s4] =	ssyncset.done $0x0  }
0x9: {  	[sflag:s4] =	ssyncadd.s32 $0xFFFFFF80  }
0xa: {  	v0 =	vld.msk [tilespmem:$0x0], $0x1;
	_ =	sdelay $0x4  }
0xb: {  	v1 =	vshll.u32 v0, $0x4  }
0xc: {  	v2 =	vand.u32 $0x7, v0;
	v1 =	vand.u32 $0xFFFFFF80, v1  }
0xd: {  	v3 =	vlaneseq.u32;
	v0 =	vimm.s32 $0x0;
	v2 =	vor.u32 v2, v1  }
0xe: {  	v1 =	vmul.u32 $0x8, v3;
	v2 =	vperm.xlane v2, v0;
	_ =	sdelay $0x1  }
0xf: {  	v2 =	vadd.s32 v1, v2  }
0x10: {  	s6 =	srdreg.scid  }
0x11: {  	s5 =	stileid.u32;
	s14 =	sand.u32 $0x1, s6  }
0x12: {  	s31 =	sshll.u32 s5, $0x7;
	s7 =	sshll.u32 s14, $0x6  }
0x13: {  	vm0 =	vmmov $0xffff;
	s8 =	simm.s32 $0x1;
	s6 =	sor.u32 s7, s31;
	s7 =	simm.s32 $0x80  }
0x14: {  	[tilespmem:s7], [sflag:$0x1] =	stream.indirect_vreg.gather [hbm4b:s2+s3], $0x80, v2, vm0, $0xb8;
	[tilespmem:$0xA00] =	vst v63  }
0x15: {  	s9 =	sshrl.u32 s6, $0x3;
	_ =	swait.ge [sflag:s8], $0x800  }
0x16: {  	s15 =	sadd.s32 s9, s11;
	[sflag:s8] =	ssyncset.done $0x0  }
0x17: {  	s10 =	simm.s32 $0x880;
	s9 =	sadd.s32 $0x800, s15;
	[sflag:s8] =	ssyncadd.s32 $0xFFFFF800  }
0x18: {  	[tilespmem:s10], [sflag:$0x2] =	stream.linear.gather [hbm4b:s9+s3], $0x40, $0x38;
	[tilespmem:$0xA00] =	vst v63  }
0x19: {  	_ =	swait.ge [sflag:s4], $0x40  }
0x1a: {  	[sflag:s4] =	ssyncset.done $0x0  }
0x1b: {  	s12 =	simm.s32 $0x900;
	s11 =	sadd.s32 $0x600, s11;
	[sflag:s4] =	ssyncadd.s32 $0xFFFFFFC0  }
0x1c: {  	[tilespmem:s12], [sflag:$0x2] =	stream.linear.gather [hbm4b:s11+s3], $0x80, $0x38;
	[tilespmem:$0xA00] =	vst v63  }
0x1d: {  	_ =	swait.ge [sflag:s4], $0x80  }
0x1e: {  	[sflag:s4] =	ssyncset.done $0x0  }
0x1f: {  	[sflag:s4] =	ssyncadd.s32 $0xFFFFFF80  }
0x20: {  	v3 =	vld [tilespmem:$0x900]  }
0x21: {  	v4 =	vld [tilespmem:$0x880];
	_ =	sdelay $0x1  }
0x22: {  	v5 =	vld [tilespmem:s6+$0x80];
	_ =	sdelay $0x2  }
0x23: {  	v2 =	vimm.f32 $0.0e+00;
	vm1 =	vlt.f32 v4, v3  }
0x24: {  	v4 =	vsel vm1, $0x3F800000, v2  }
0x25: {  	v4 =	vsub.f32 v5, v4;
	_ =	sdelay $0x1  }
0x26: {  	v61 =	vld [tilespmem:$0x890];
	v4 =	vand.u32 $0x7FFFFFFF, v4  }
0x27: {  	s13 =	sadd.s32 $0x80, s6;
	[tilespmem:$0x980] =	vst v4  }
0x28: {  	v4 =	vld [tilespmem:s13+$0x10];
	_ =	sdelay $0x2  }
0x29: {  	vm1 =	vlt.f32 v61, v3  }
0x2a: {  	v5 =	vsel vm1, $0x3F800000, v2  }
0x2b: {  	v4 =	vsub.f32 v4, v5;
	_ =	sdelay $0x1  }
0x2c: {  	v62 =	vld [tilespmem:$0x8A0];
	v4 =	vand.u32 $0x7FFFFFFF, v4  }
0x2d: {  	[tilespmem:$0x990] =	vst v4  }
0x2e: {  	v4 =	vld [tilespmem:s13+$0x20];
	_ =	sdelay $0x2  }
0x2f: {  	vm1 =	vlt.f32 v62, v3  }
0x30: {  	v5 =	vsel vm1, $0x3F800000, v2  }
0x31: {  	v4 =	vsub.f32 v4, v5;
	_ =	sdelay $0x1  }
0x32: {  	v63 =	vld [tilespmem:$0x8B0];
	v4 =	vand.u32 $0x7FFFFFFF, v4  }
0x33: {  	[tilespmem:$0x9A0] =	vst v4  }
0x34: {  	v4 =	vld [tilespmem:s13+$0x30]  }
0x35: {  	s14 =	ssub.s32 $0x2, s14  }
0x36: {  	s16 =	sshrl.u32 s14, $0x1  }
0x37: {  	s16 =	ssub.s32 s14, s16;
	vm1 =	vlt.f32 v63, v3  }
0x38: {  	s16 =	smax.u32 s16, $0x1;
	v3 =	vsel vm1, $0x3F800000, v2  }
0x39: {  	p0 =	sne.s32 s16, $0x1;
	v3 =	vsub.f32 v4, v3  }
.Ltmp0:
0x3a: {  	_ = 	snop;
	(pc) =	sbr.rel @!p0 .LBB2_2-.Ltmp0, $4  }
0x3b: {  	v3 =	vand.u32 $0x7FFFFFFF, v3  }
0x3c: {  	s14 =	sadd.s32 $0xA00, s15;
	s15 =	simm.s32 $0x980;
	[tilespmem:$0x9B0] =	vst v3  }
0x3d: {  	[hbm4b:s14+s3] =	stream.linear.scatter [tilespmem:s15], [sflag:$0x2], $0x40, $0x38;
	[tilespmem:$0xA00] =	vst v63  }
0x3e: {  	s16 =	sadd.s32 $0xFFFFFFFF, s16;
	_ =	swait.ge [sflag:s4], $0x40  }
.LBB2_1:
0x3f: {  	p0 =	sne.s32 s16, $0x1;
	s16 =	sadd.s32 $0xFFFFFFFF, s16;
	[sflag:s4] =	ssyncset.done $0x0  }
0x40: {  	[sflag:s4] =	ssyncadd.s32 $0xFFFFFFC0  }
0x41: {  	[tilespmem:s3], [sflag:$0x2] =	stream.linear.gather [hbm4b:s1+s3], $0x80, $0x38;
	[tilespmem:$0xA00] =	vst v63  }
0x42: {  	_ =	swait.ge [sflag:s4], $0x80  }
0x43: {  	[sflag:s4] =	ssyncset.done $0x0  }
0x44: {  	[sflag:s4] =	ssyncadd.s32 $0xFFFFFF80  }
0x45: {  	v3 =	vld.msk [tilespmem:$0x0], $0x1;
	_ =	sdelay $0x4  }
0x46: {  	v4 =	vshll.u32 v3, $0x4  }
0x47: {  	v3 =	vand.u32 $0x7, v3;
	v4 =	vand.u32 $0xFFFFFF80, v4  }
0x48: {  	v3 =	vor.u32 v3, v4  }
0x49: {  	v3 =	vperm.xlane v3, v0;
	_ =	sdelay $0x1  }
0x4a: {  	v3 =	vadd.s32 v1, v3;
	_ =	sdelay $0x4  }
0x4b: {  	[tilespmem:s7], [sflag:$0x1] =	stream.indirect_vreg.gather [hbm4b:s2+s3], $0x80, v3, vm0, $0xb8;
	[tilespmem:$0xA00] =	vst v63  }
0x4c: {  	_ =	swait.ge [sflag:s8], $0x800  }
0x4d: {  	[sflag:s8] =	ssyncset.done $0x0  }
0x4e: {  	[sflag:s8] =	ssyncadd.s32 $0xFFFFF800  }
0x4f: {  	[tilespmem:s10], [sflag:$0x2] =	stream.linear.gather [hbm4b:s9+s3], $0x40, $0x38;
	[tilespmem:$0xA00] =	vst v63  }
0x50: {  	_ =	swait.ge [sflag:s4], $0x40  }
0x51: {  	[sflag:s4] =	ssyncset.done $0x0  }
0x52: {  	[sflag:s4] =	ssyncadd.s32 $0xFFFFFFC0  }
0x53: {  	[tilespmem:s12], [sflag:$0x2] =	stream.linear.gather [hbm4b:s11+s3], $0x80, $0x38;
	[tilespmem:$0xA00] =	vst v63  }
0x54: {  	_ =	swait.ge [sflag:s4], $0x80  }
0x55: {  	[sflag:s4] =	ssyncset.done $0x0  }
0x56: {  	[sflag:s4] =	ssyncadd.s32 $0xFFFFFF80  }
0x57: {  	v3 =	vld [tilespmem:$0x900]  }
0x58: {  	v4 =	vld [tilespmem:$0x880]  }
0x59: {  	v5 =	vld [tilespmem:s6+$0x80]  }
0x5a: {  	v6 =	vld [tilespmem:$0x890]  }
0x5b: {  	v7 =	vld [tilespmem:$0x8A0]  }
0x5c: {  	v8 =	vld [tilespmem:$0x8B0]  }
0x5d: {  	vm1 =	vlt.f32 v4, v3  }
0x5e: {  	v4 =	vsel vm1, $0x3F800000, v2  }
0x5f: {  	v4 =	vsub.f32 v5, v4;
	vm2 =	vlt.f32 v6, v3  }
0x60: {  	vm3 =	vlt.f32 v7, v3  }
0x61: {  	v4 =	vand.u32 $0x7FFFFFFF, v4;
	vm1 =	vlt.f32 v8, v3  }
0x62: {  	[tilespmem:$0x980] =	vst v4  }
0x63: {  	v3 =	vld [tilespmem:s13+$0x10];
	_ =	sdelay $0x2  }
0x64: {  	v4 =	vsel vm2, $0x3F800000, v2;
	_ =	sdelay $0x1  }
0x65: {  	v3 =	vsub.f32 v3, v4;
	_ =	sdelay $0x1  }
0x66: {  	v3 =	vand.u32 $0x7FFFFFFF, v3  }
0x67: {  	[tilespmem:$0x990] =	vst v3  }
0x68: {  	v3 =	vld [tilespmem:s13+$0x20];
	_ =	sdelay $0x2  }
0x69: {  	v4 =	vsel vm3, $0x3F800000, v2;
	_ =	sdelay $0x1  }
0x6a: {  	v3 =	vsub.f32 v3, v4;
	_ =	sdelay $0x1  }
0x6b: {  	v3 =	vand.u32 $0x7FFFFFFF, v3  }
0x6c: {  	[tilespmem:$0x9A0] =	vst v3  }
0x6d: {  	v3 =	vld [tilespmem:s13+$0x30];
	_ =	sdelay $0x2  }
0x6e: {  	v4 =	vsel vm1, $0x3F800000, v2;
	_ =	sdelay $0x1  }
0x6f: {  	v3 =	vsub.f32 v3, v4  }
.Ltmp1:
0x70: {  	(pc) =	sbr.rel @p0 .LBB2_1-.Ltmp1, $4  }
0x71: {  	v3 =	vand.u32 $0x7FFFFFFF, v3  }
0x72: {  	[tilespmem:$0x9B0] =	vst v3  }
0x73: {  	[hbm4b:s14+s3] =	stream.linear.scatter [tilespmem:s15], [sflag:$0x2], $0x40, $0x38;
	[tilespmem:$0xA00] =	vst v63  }
0x74: {  	_ =	swait.ge [sflag:s4], $0x40  }
.LBB2_2:
0x75: {  	[sflag:s4] =	ssyncset.done $0x0  }
0x76: {  	[sflag:s4] =	ssyncadd.s32 $0xFFFFFFC0  }
0x77: {  	_ =	sfence.sel $0x180000  }
0x78: {  	[bflag:$0x0] =	sbarrier.arrive $0xFFFF  }
0x79: {  	p0 =	sne.s32 s5, $0x0;
	_ =	strace $0x90000047  }
0x7a: {  	s0 =	sadd.s32 @!p0 $0x100000, s0;
	[bflag:$0x2] =	sbarrier.arrive $0xFFFF  }
0x7b: {  	[sflag:s0] =	ssyncadd.tile.s32 @!p0 $0x1;
	_ =	shalt  }
.Lfunc_end2:
_tile_overlayer_lowered:
.L_overlay_start_2:
0x7c: {  	(tag) =	ssettag $0x2  }
0x7d: {  	s0 =	rddreg [dreg:$0x0];
	s2 =	stileid.u32  }
0x7e: {  	s1 =	rddreg [dreg:$0x1];
	p0 =	sne.s32 s2, $0x0  }
0x7f: {  	s3 =	rddreg [dreg:$0x2];
	[bflag:$0x3] =	sbarrier.arrive $0xFFFF;
	s2 =	simm.s32 @!p0 $0x1C02  }
0x80: {  	[timem:s3], [sflag:s2] =	dma.local @!p0 [hbm:s0], s1  }
0x81: {  	s0 =	simm.s32 @!p0 $0x2  }
0x82: {  	_ =	swait.ge @!p0 [sflag:s0], s1  }
0x83: {  	s1 =	ssub.s32 @!p0 $0x0, s1;
	[sflag:s0] =	ssyncset.done @!p0 $0x0  }
0x84: {  	[sflag:s0] =	ssyncadd.s32 @!p0 s1  }
0x85: {  	[bflag:$0x3] =	sbarrier.arrive $0xFFFF  }
0x86: {  	_ =	shalt  }

</sc_bundles>
